<compile_context>
chip_gen: v7x
topology: tpu7x:2x2x1
jax: 0.10.2.dev20260603
libtpu: 0.0.44.dev20260713+nightly
codegen_flags: <defaults>
</compile_context>

<pallas_src>
import functools

import jax
import jax.numpy as jnp
from jax import lax
from jax.experimental import pallas as pl
from jax.experimental.pallas import tpu as pltpu
from jax.experimental.pallas import tpu_sc as plsc

MAX_CONTEXT = 8192
EMBEDDING_DIM = 128
NUM_CORES = 2
NUM_SUBCORES = 16
NUM_WORKERS = NUM_CORES * NUM_SUBCORES
RPW = MAX_CONTEXT // NUM_WORKERS
GROUPS_PER_BATCH = RPW // 16


def _make_body(B, S):
    NG = B * GROUPS_PER_BATCH

    def body(in_hbm, emb_hbm, out_hbm, emb_v, in_v, idx2d, tmp_v, zeros_v,
             sem_in, sem_emb, sem_o, sem_f):
        wid = lax.axis_index("s") * NUM_CORES + lax.axis_index("c")
        s0 = wid * RPW

        h_emb = pltpu.async_copy(emb_hbm.at[pl.ds(s0, RPW), :], emb_v,
                                 sem_emb)
        h_in = [
            pltpu.async_copy(
                in_hbm.at[b, pl.ds(s0, RPW)],
                in_v.at[pl.ds(b * RPW, RPW)],
                sem_in,
            )
            for b in range(B)
        ]
        for h in h_in:
            h.wait()

        iota16 = lax.iota(jnp.int32, 16)

        def scan(g, dcnt):
            v = in_v[pl.ds(g * 16, 16)]
            z = v == 0
            cnt = plsc.all_reduce_population_count(z)[0]

            @pl.when(cnt > 0)
            def _():
                b = g // GROUPS_PER_BATCH
                rbase = (g % GROUPS_PER_BATCH) * 16
                rows = b * S + s0 + rbase + iota16
                plsc.store_compressed(tmp_v.at[pl.ds(0, 16)], rows, mask=z)
                first = tmp_v[pl.ds(0, 16)][0]
                idx2d[dcnt, :] = jnp.where(z, rows, first)

            return dcnt + (cnt > 0).astype(jnp.int32)

        dcnt = lax.fori_loop(0, NG, scan, 0)

        h_emb.wait()
        h_out = [
            pltpu.async_copy(
                emb_v, out_hbm.at[pl.ds(b * S + s0, RPW), :], sem_o)
            for b in range(B)
        ]
        for h in h_out:
            h.wait()

        @pl.when(dcnt > 0)
        def _():
            def zinit(i, c):
                for j in range(EMBEDDING_DIM // 16):
                    zeros_v[i, pl.ds(j * 16, 16)] = jnp.zeros(
                        (16,), jnp.float32)
                return c

            lax.fori_loop(0, 16, zinit, 0)

        def fix(j, c):
            pltpu.async_copy(
                zeros_v, out_hbm.at[idx2d.at[j]], sem_f).wait()
            return c

        lax.fori_loop(0, dcnt, fix, 0)

    return body


@jax.jit
def _run(inputs, embedding_matrix):
    B, S = inputs.shape
    mesh = plsc.VectorSubcoreMesh(core_axis_name="c", subcore_axis_name="s")
    fn = functools.partial(
        pl.kernel,
        mesh=mesh,
        compiler_params=pltpu.CompilerParams(needs_layout_passes=False, use_tc_tiling_on_sc=False),
        out_type=jax.ShapeDtypeStruct((B * S, EMBEDDING_DIM), jnp.float32),
        scratch_types=[
            pltpu.VMEM((RPW, EMBEDDING_DIM), jnp.float32),
            pltpu.VMEM((B * RPW,), jnp.int32),
            pltpu.VMEM((B * GROUPS_PER_BATCH, 16), jnp.int32),
            pltpu.VMEM((16,), jnp.int32),
            pltpu.VMEM((16, EMBEDDING_DIM), jnp.float32),
            pltpu.SemaphoreType.DMA,
            pltpu.SemaphoreType.DMA,
            pltpu.SemaphoreType.DMA,
            pltpu.SemaphoreType.DMA,
        ],
    )(_make_body(B, S))
    out = fn(inputs, embedding_matrix)
    return out.reshape(B, S, EMBEDDING_DIM)


def kernel(inputs, embedding_matrix):
    if inputs.shape[1] > MAX_CONTEXT:
        inputs = inputs[:, -MAX_CONTEXT:]
    return _run(inputs.astype(jnp.int32), embedding_matrix)

# --- scband reference (transcript-rebuilt; emitter-appended) ---
"""Pipeline reference for scband-position-embedding-4183298146925 (READ-ONLY COPY).

The authoritative reference and input builder live on the scoring server;
editing this copy changes nothing except your own understanding.
"""

import jax, jax.numpy as jnp
import numpy as np

MAX_CONTEXT = 8192
EMBEDDING_DIM = 128
PADDING_TOKEN = 0
INIT_STDDEV = 0.02


def setup_inputs(seed: int = 0) -> dict:
    key = jax.random.key(seed)
    k1, k2 = jax.random.split(key)
    inputs = jax.random.randint(k1, (4, 8192), 0, 32000, dtype=jnp.int64)
    embedding_matrix = jax.random.normal(k2, (MAX_CONTEXT, EMBEDDING_DIM), dtype=jnp.float32) * INIT_STDDEV
    return {"inputs": inputs, "embedding_matrix": embedding_matrix}


def reference(inputs, embedding_matrix):
    # truncate to last max_context tokens if needed (static shapes here)
    if inputs.shape[1] > MAX_CONTEXT:
        inputs = inputs[:, -MAX_CONTEXT:]
    B, S = inputs.shape
    index = jnp.tile(jnp.arange(S, dtype=jnp.int32)[None, :], (B, 1))
    embedding = jnp.take(embedding_matrix, index, axis=0)
    # padding_token masking
    mask = (inputs != PADDING_TOKEN).astype(jnp.float32)
    mask = jnp.tile(mask[:, :, None], (1, 1, EMBEDDING_DIM))
    return embedding * mask

if __name__ == "__main__":
    import jax
    _d = setup_inputs()
    print(jax.jit(kernel)(*tuple(_d.values())))

</pallas_src>

<mosaic_0001>
#map = affine_map<(d0, d1) -> (0, 0)>
module attributes {stable_mosaic.version = 14 : i64} {
  func.func @body(%arg0: i32, %arg1: i32, %arg2: memref<4x8192xi32, #tpu.memory_space<hbm>>, %arg3: memref<8192x128xf32, #tpu.memory_space<hbm>>, %arg4: memref<32768x128xf32, #tpu.memory_space<hbm>>, %arg5: memref<256x128xf32, #tpu.memory_space<vmem>>, %arg6: memref<1024xi32, #tpu.memory_space<vmem>>, %arg7: memref<64x16xi32, #tpu.memory_space<vmem>>, %arg8: memref<16xi32, #tpu.memory_space<vmem>>, %arg9: memref<16x128xf32, #tpu.memory_space<vmem>>, %arg10: memref<!tpu.dma_semaphore, #tpu.memory_space<semaphore_mem>>, %arg11: memref<!tpu.dma_semaphore, #tpu.memory_space<semaphore_mem>>, %arg12: memref<!tpu.dma_semaphore, #tpu.memory_space<semaphore_mem>>, %arg13: memref<!tpu.dma_semaphore, #tpu.memory_space<semaphore_mem>>) attributes {dimension_semantics = [#tpu.dimension_semantics<core_parallel>, #tpu.dimension_semantics<subcore_parallel>], iteration_bounds = array<i64: 2, 16>, scalar_prefetch = 0 : i64, scratch_operands = 9 : i64, tpu.core_type = #tpu.core_type<sc_vector_subcore>, window_params = [{transform_indices = #map}, {transform_indices = #map}, {transform_indices = #map}]} {
    %mul3A = arith.constant 2 : i32
    %mul3A_0 = arith.muli %arg1, %mul3A : i32
    %add3A = arith.addi %mul3A_0, %arg0 : i32
    %mul3A_1 = arith.constant 256 : i32
    %mul3A_2 = arith.muli %add3A, %mul3A_1 : i32
    %dma_start3A = arith.constant 0 : i32
    %dma_start3A_3 = tpu.memref_slice %arg3[%mul3A_2, %dma_start3A] : memref<8192x128xf32, #tpu.memory_space<hbm>> -> memref<256x128xf32, #tpu.memory_space<hbm>>
    %dma_start3A_4 = arith.constant 0 : i32
    %dma_start3A_5 = tpu.memref_slice %arg3[%mul3A_2, %dma_start3A_4] : memref<8192x128xf32, #tpu.memory_space<hbm>> -> memref<256x128xf32, #tpu.memory_space<hbm>>
    tpu.enqueue_dma source(%dma_start3A_5 : memref<256x128xf32, #tpu.memory_space<hbm>>) target(%arg5 : memref<256x128xf32, #tpu.memory_space<vmem>>) target_semaphore(%arg11 : memref<!tpu.dma_semaphore, #tpu.memory_space<semaphore_mem>>)
    %dma_start3A_6 = arith.constant 0 : i32
    %dma_start3A_7 = arith.constant 0 : i32
    %dma_start3A_8 = tpu.memref_slice %arg6[%dma_start3A_7] : memref<1024xi32, #tpu.memory_space<vmem>> -> memref<256xi32, #tpu.memory_space<vmem>>
    %dma_start3A_9 = tpu.memref_slice %arg2[%dma_start3A_6, %mul3A_2] : memref<4x8192xi32, #tpu.memory_space<hbm>> -> memref<1x256xi32, #tpu.memory_space<hbm>>
    %dma_start3A_10 = tpu.memref_squeeze %dma_start3A_9 : memref<1x256xi32, #tpu.memory_space<hbm>> -> memref<256xi32, #tpu.memory_space<hbm>>
    %dma_start3A_11 = arith.constant 0 : i32
    %dma_start3A_12 = tpu.memref_slice %arg6[%dma_start3A_11] : memref<1024xi32, #tpu.memory_space<vmem>> -> memref<256xi32, #tpu.memory_space<vmem>>
    %dma_start3A_13 = tpu.memref_slice %arg2[%dma_start3A_6, %mul3A_2] : memref<4x8192xi32, #tpu.memory_space<hbm>> -> memref<1x256xi32, #tpu.memory_space<hbm>>
    %dma_start3A_14 = tpu.memref_squeeze %dma_start3A_13 : memref<1x256xi32, #tpu.memory_space<hbm>> -> memref<256xi32, #tpu.memory_space<hbm>>
    tpu.enqueue_dma source(%dma_start3A_14 : memref<256xi32, #tpu.memory_space<hbm>>) target(%dma_start3A_12 : memref<256xi32, #tpu.memory_space<vmem>>) target_semaphore(%arg10 : memref<!tpu.dma_semaphore, #tpu.memory_space<semaphore_mem>>)
    %dma_start3A_15 = arith.constant 1 : i32
    %dma_start3A_16 = arith.constant 256 : i32
    %dma_start3A_17 = tpu.memref_slice %arg6[%dma_start3A_16] : memref<1024xi32, #tpu.memory_space<vmem>> -> memref<256xi32, #tpu.memory_space<vmem>>
    %dma_start3A_18 = tpu.memref_slice %arg2[%dma_start3A_15, %mul3A_2] : memref<4x8192xi32, #tpu.memory_space<hbm>> -> memref<1x256xi32, #tpu.memory_space<hbm>>
    %dma_start3A_19 = tpu.memref_squeeze %dma_start3A_18 : memref<1x256xi32, #tpu.memory_space<hbm>> -> memref<256xi32, #tpu.memory_space<hbm>>
    %dma_start3A_20 = arith.constant 256 : i32
    %dma_start3A_21 = tpu.memref_slice %arg6[%dma_start3A_20] : memref<1024xi32, #tpu.memory_space<vmem>> -> memref<256xi32, #tpu.memory_space<vmem>>
    %dma_start3A_22 = tpu.memref_slice %arg2[%dma_start3A_15, %mul3A_2] : memref<4x8192xi32, #tpu.memory_space<hbm>> -> memref<1x256xi32, #tpu.memory_space<hbm>>
    %dma_start3A_23 = tpu.memref_squeeze %dma_start3A_22 : memref<1x256xi32, #tpu.memory_space<hbm>> -> memref<256xi32, #tpu.memory_space<hbm>>
    tpu.enqueue_dma source(%dma_start3A_23 : memref<256xi32, #tpu.memory_space<hbm>>) target(%dma_start3A_21 : memref<256xi32, #tpu.memory_space<vmem>>) target_semaphore(%arg10 : memref<!tpu.dma_semaphore, #tpu.memory_space<semaphore_mem>>)
    %dma_start3A_24 = arith.constant 2 : i32
    %dma_start3A_25 = arith.constant 512 : i32
    %dma_start3A_26 = tpu.memref_slice %arg6[%dma_start3A_25] : memref<1024xi32, #tpu.memory_space<vmem>> -> memref<256xi32, #tpu.memory_space<vmem>>
    %dma_start3A_27 = tpu.memref_slice %arg2[%dma_start3A_24, %mul3A_2] : memref<4x8192xi32, #tpu.memory_space<hbm>> -> memref<1x256xi32, #tpu.memory_space<hbm>>
    %dma_start3A_28 = tpu.memref_squeeze %dma_start3A_27 : memref<1x256xi32, #tpu.memory_space<hbm>> -> memref<256xi32, #tpu.memory_space<hbm>>
    %dma_start3A_29 = arith.constant 512 : i32
    %dma_start3A_30 = tpu.memref_slice %arg6[%dma_start3A_29] : memref<1024xi32, #tpu.memory_space<vmem>> -> memref<256xi32, #tpu.memory_space<vmem>>
    %dma_start3A_31 = tpu.memref_slice %arg2[%dma_start3A_24, %mul3A_2] : memref<4x8192xi32, #tpu.memory_space<hbm>> -> memref<1x256xi32, #tpu.memory_space<hbm>>
    %dma_start3A_32 = tpu.memref_squeeze %dma_start3A_31 : memref<1x256xi32, #tpu.memory_space<hbm>> -> memref<256xi32, #tpu.memory_space<hbm>>
    tpu.enqueue_dma source(%dma_start3A_32 : memref<256xi32, #tpu.memory_space<hbm>>) target(%dma_start3A_30 : memref<256xi32, #tpu.memory_space<vmem>>) target_semaphore(%arg10 : memref<!tpu.dma_semaphore, #tpu.memory_space<semaphore_mem>>)
    %dma_start3A_33 = arith.constant 3 : i32
    %dma_start3A_34 = arith.constant 768 : i32
    %dma_start3A_35 = tpu.memref_slice %arg6[%dma_start3A_34] : memref<1024xi32, #tpu.memory_space<vmem>> -> memref<256xi32, #tpu.memory_space<vmem>>
    %dma_start3A_36 = tpu.memref_slice %arg2[%dma_start3A_33, %mul3A_2] : memref<4x8192xi32, #tpu.memory_space<hbm>> -> memref<1x256xi32, #tpu.memory_space<hbm>>
    %dma_start3A_37 = tpu.memref_squeeze %dma_start3A_36 : memref<1x256xi32, #tpu.memory_space<hbm>> -> memref<256xi32, #tpu.memory_space<hbm>>
    %dma_start3A_38 = arith.constant 768 : i32
    %dma_start3A_39 = tpu.memref_slice %arg6[%dma_start3A_38] : memref<1024xi32, #tpu.memory_space<vmem>> -> memref<256xi32, #tpu.memory_space<vmem>>
    %dma_start3A_40 = tpu.memref_slice %arg2[%dma_start3A_33, %mul3A_2] : memref<4x8192xi32, #tpu.memory_space<hbm>> -> memref<1x256xi32, #tpu.memory_space<hbm>>
    %dma_start3A_41 = tpu.memref_squeeze %dma_start3A_40 : memref<1x256xi32, #tpu.memory_space<hbm>> -> memref<256xi32, #tpu.memory_space<hbm>>
    tpu.enqueue_dma source(%dma_start3A_41 : memref<256xi32, #tpu.memory_space<hbm>>) target(%dma_start3A_39 : memref<256xi32, #tpu.memory_space<vmem>>) target_semaphore(%arg10 : memref<!tpu.dma_semaphore, #tpu.memory_space<semaphore_mem>>)
    %dma_wait3A = arith.constant 0 : i32
    %dma_wait3A_42 = arith.constant 0 : i32
    %dma_wait3A_43 = tpu.memref_slice %arg6[%dma_wait3A_42] : memref<1024xi32, #tpu.memory_space<vmem>> -> memref<256xi32, #tpu.memory_space<vmem>>
    %dma_wait3A_44 = tpu.memref_slice %arg2[%dma_wait3A, %mul3A_2] : memref<4x8192xi32, #tpu.memory_space<hbm>> -> memref<1x256xi32, #tpu.memory_space<hbm>>
    %dma_wait3A_45 = tpu.memref_squeeze %dma_wait3A_44 : memref<1x256xi32, #tpu.memory_space<hbm>> -> memref<256xi32, #tpu.memory_space<hbm>>
    %dma_wait3A_46 = arith.constant 0 : i32
    %dma_wait3A_47 = tpu.memref_slice %arg6[%dma_wait3A_46] : memref<1024xi32, #tpu.memory_space<vmem>> -> memref<256xi32, #tpu.memory_space<vmem>>
    %dma_wait3A_48 = tpu.memref_slice %arg2[%dma_wait3A, %mul3A_2] : memref<4x8192xi32, #tpu.memory_space<hbm>> -> memref<1x256xi32, #tpu.memory_space<hbm>>
    %dma_wait3A_49 = tpu.memref_squeeze %dma_wait3A_48 : memref<1x256xi32, #tpu.memory_space<hbm>> -> memref<256xi32, #tpu.memory_space<hbm>>
    tpu.wait_dma2 semaphore(%arg10 : memref<!tpu.dma_semaphore, #tpu.memory_space<semaphore_mem>>) src(%dma_wait3A_49 : memref<256xi32, #tpu.memory_space<hbm>>) dst(%dma_wait3A_47 : memref<256xi32, #tpu.memory_space<vmem>>)
    %dma_wait3A_50 = arith.constant 1 : i32
    %dma_wait3A_51 = arith.constant 256 : i32
    %dma_wait3A_52 = tpu.memref_slice %arg6[%dma_wait3A_51] : memref<1024xi32, #tpu.memory_space<vmem>> -> memref<256xi32, #tpu.memory_space<vmem>>
    %dma_wait3A_53 = tpu.memref_slice %arg2[%dma_wait3A_50, %mul3A_2] : memref<4x8192xi32, #tpu.memory_space<hbm>> -> memref<1x256xi32, #tpu.memory_space<hbm>>
    %dma_wait3A_54 = tpu.memref_squeeze %dma_wait3A_53 : memref<1x256xi32, #tpu.memory_space<hbm>> -> memref<256xi32, #tpu.memory_space<hbm>>
    %dma_wait3A_55 = arith.constant 256 : i32
    %dma_wait3A_56 = tpu.memref_slice %arg6[%dma_wait3A_55] : memref<1024xi32, #tpu.memory_space<vmem>> -> memref<256xi32, #tpu.memory_space<vmem>>
    %dma_wait3A_57 = tpu.memref_slice %arg2[%dma_wait3A_50, %mul3A_2] : memref<4x8192xi32, #tpu.memory_space<hbm>> -> memref<1x256xi32, #tpu.memory_space<hbm>>
    %dma_wait3A_58 = tpu.memref_squeeze %dma_wait3A_57 : memref<1x256xi32, #tpu.memory_space<hbm>> -> memref<256xi32, #tpu.memory_space<hbm>>
    tpu.wait_dma2 semaphore(%arg10 : memref<!tpu.dma_semaphore, #tpu.memory_space<semaphore_mem>>) src(%dma_wait3A_58 : memref<256xi32, #tpu.memory_space<hbm>>) dst(%dma_wait3A_56 : memref<256xi32, #tpu.memory_space<vmem>>)
    %dma_wait3A_59 = arith.constant 2 : i32
    %dma_wait3A_60 = arith.constant 512 : i32
    %dma_wait3A_61 = tpu.memref_slice %arg6[%dma_wait3A_60] : memref<1024xi32, #tpu.memory_space<vmem>> -> memref<256xi32, #tpu.memory_space<vmem>>
    %dma_wait3A_62 = tpu.memref_slice %arg2[%dma_wait3A_59, %mul3A_2] : memref<4x8192xi32, #tpu.memory_space<hbm>> -> memref<1x256xi32, #tpu.memory_space<hbm>>
    %dma_wait3A_63 = tpu.memref_squeeze %dma_wait3A_62 : memref<1x256xi32, #tpu.memory_space<hbm>> -> memref<256xi32, #tpu.memory_space<hbm>>
    %dma_wait3A_64 = arith.constant 512 : i32
    %dma_wait3A_65 = tpu.memref_slice %arg6[%dma_wait3A_64] : memref<1024xi32, #tpu.memory_space<vmem>> -> memref<256xi32, #tpu.memory_space<vmem>>
    %dma_wait3A_66 = tpu.memref_slice %arg2[%dma_wait3A_59, %mul3A_2] : memref<4x8192xi32, #tpu.memory_space<hbm>> -> memref<1x256xi32, #tpu.memory_space<hbm>>
    %dma_wait3A_67 = tpu.memref_squeeze %dma_wait3A_66 : memref<1x256xi32, #tpu.memory_space<hbm>> -> memref<256xi32, #tpu.memory_space<hbm>>
    tpu.wait_dma2 semaphore(%arg10 : memref<!tpu.dma_semaphore, #tpu.memory_space<semaphore_mem>>) src(%dma_wait3A_67 : memref<256xi32, #tpu.memory_space<hbm>>) dst(%dma_wait3A_65 : memref<256xi32, #tpu.memory_space<vmem>>)
    %dma_wait3A_68 = arith.constant 3 : i32
    %dma_wait3A_69 = arith.constant 768 : i32
    %dma_wait3A_70 = tpu.memref_slice %arg6[%dma_wait3A_69] : memref<1024xi32, #tpu.memory_space<vmem>> -> memref<256xi32, #tpu.memory_space<vmem>>
    %dma_wait3A_71 = tpu.memref_slice %arg2[%dma_wait3A_68, %mul3A_2] : memref<4x8192xi32, #tpu.memory_space<hbm>> -> memref<1x256xi32, #tpu.memory_space<hbm>>
    %dma_wait3A_72 = tpu.memref_squeeze %dma_wait3A_71 : memref<1x256xi32, #tpu.memory_space<hbm>> -> memref<256xi32, #tpu.memory_space<hbm>>
    %dma_wait3A_73 = arith.constant 768 : i32
    %dma_wait3A_74 = tpu.memref_slice %arg6[%dma_wait3A_73] : memref<1024xi32, #tpu.memory_space<vmem>> -> memref<256xi32, #tpu.memory_space<vmem>>
    %dma_wait3A_75 = tpu.memref_slice %arg2[%dma_wait3A_68, %mul3A_2] : memref<4x8192xi32, #tpu.memory_space<hbm>> -> memref<1x256xi32, #tpu.memory_space<hbm>>
    %dma_wait3A_76 = tpu.memref_squeeze %dma_wait3A_75 : memref<1x256xi32, #tpu.memory_space<hbm>> -> memref<256xi32, #tpu.memory_space<hbm>>
    tpu.wait_dma2 semaphore(%arg10 : memref<!tpu.dma_semaphore, #tpu.memory_space<semaphore_mem>>) src(%dma_wait3A_76 : memref<256xi32, #tpu.memory_space<hbm>>) dst(%dma_wait3A_74 : memref<256xi32, #tpu.memory_space<vmem>>)
    %iota3A = tpu.iota {dimensions = array<i32: 0>} : vector<16xi32>
    %scan3A = arith.constant 0 : i32
    %scan3A_77 = arith.constant 0 : i32
    %scan3A_78 = arith.constant 64 : i32
    %scan3A_79 = arith.addi %scan3A_77, %scan3A_78 : i32
    %scan3A_80 = arith.constant 1 : i32
    %scan3A_81 = scf.for %scan3A_138 = %scan3A_77 to %scan3A_79 step %scan3A_80 iter_args(%scan3A_139 = %scan3A) -> (i32)  : i32 {
      %mul3A_140 = arith.constant 16 : i32
      %mul3A_141 = arith.muli %scan3A_138, %mul3A_140 : i32
      %get3A = arith.index_cast %mul3A_141 : i32 to index
      %get3A_142 = tpu.vector_load %arg6[%get3A] {strides = array<i32>} : memref<1024xi32, #tpu.memory_space<vmem>>, vector<16xi32>,
      %eq3A = arith.constant 0 : i32
      %eq3A_143 = vector.broadcast %eq3A : i32 to vector<16xi32>
      %eq3A_144 = arith.cmpi eq, %get3A_142, %eq3A_143 : vector<16xi32>
      %all_reduce_population_count3A = tpu.all_reduce %eq3A_144 {dim = 0 : i64, kind = #tpu.reduction_kind<sum>} : vector<16xi1> -> vector<16xi32>
      %slice3A = vector.extract_strided_slice %all_reduce_population_count3A {offsets = [0], sizes = [1], strides = [1]} : vector<16xi32> to vector<1xi32>
      %squeeze3A = vector.extract %slice3A[0] : i32 from vector<1xi32>
      %gt3A_145 = arith.constant 0 : i32
      %gt3A_146 = arith.cmpi sgt, %squeeze3A, %gt3A_145 : i32
      %convert_element_type3A_147 = arith.extui %gt3A_146 : i1 to i32
      %cond3A_148 = arith.constant 0 : i32
      %cond3A_149 = arith.cmpi ne, %convert_element_type3A_147, %cond3A_148 : i32
      scf.if %cond3A_149 {
        %jit3A = arith.constant 16 : i32
        %div3A = arith.divsi %scan3A_138, %jit3A : i32
        %sign3A = arith.constant 0 : i32
        %sign3A_154 = arith.cmpi sgt, %scan3A_138, %sign3A : i32
        %sign3A_155 = arith.extui %sign3A_154 : i1 to i32
        %sign3A_156 = arith.constant 0 : i32
        %sign3A_157 = arith.cmpi slt, %scan3A_138, %sign3A_156 : i32
        %sign3A_158 = arith.extui %sign3A_157 : i1 to i32
        %sign3A_159 = arith.subi %sign3A_155, %sign3A_158 : i32
        %sign3A_160 = arith.constant 0 : i32
        %sign3A_161 = arith.cmpi sgt, %jit3A, %sign3A_160 : i32
        %sign3A_162 = arith.extui %sign3A_161 : i1 to i32
        %sign3A_163 = arith.constant 0 : i32
        %sign3A_164 = arith.cmpi slt, %jit3A, %sign3A_163 : i32
        %sign3A_165 = arith.extui %sign3A_164 : i1 to i32
        %sign3A_166 = arith.subi %sign3A_162, %sign3A_165 : i32
        %ne3A = arith.cmpi ne, %sign3A_159, %sign3A_166 : i32
        %rem3A = arith.remsi %scan3A_138, %jit3A : i32
        %ne3A_167 = arith.constant 0 : i32
        %ne3A_168 = arith.cmpi ne, %rem3A, %ne3A_167 : i32
        %and3A = arith.andi %ne3A, %ne3A_168 : i1
        %sub3A = arith.constant 1 : i32
        %sub3A_169 = arith.subi %div3A, %sub3A : i32
        %select_n3A = arith.select %and3A, %sub3A_169, %div3A : i32
        %jit3A_170 = arith.constant 16 : i32
        %eq3A_171 = arith.constant 0 : i32
        %eq3A_172 = arith.cmpi eq, %jit3A_170, %eq3A_171 : i32
        %jit3A_173 = arith.constant 1 : i32
        %select_n3A_174 = arith.select %eq3A_172, %jit3A_173, %jit3A_170 : i32
        %rem3A_175 = arith.remsi %scan3A_138, %select_n3A_174 : i32
        %ne3A_176 = arith.constant 0 : i32
        %ne3A_177 = arith.cmpi ne, %rem3A_175, %ne3A_176 : i32
        %lt3A = arith.constant 0 : i32
        %lt3A_178 = arith.cmpi slt, %rem3A_175, %lt3A : i32
        %lt3A_179 = arith.constant 0 : i32
        %lt3A_180 = arith.cmpi slt, %select_n3A_174, %lt3A_179 : i32
        %ne3A_181 = arith.xori %lt3A_178, %lt3A_180 : i1
        %and3A_182 = arith.andi %ne3A_181, %ne3A_177 : i1
        %add3A_183 = arith.addi %rem3A_175, %select_n3A_174 : i32
        %select_n3A_184 = arith.select %and3A_182, %add3A_183, %rem3A_175 : i32
        %mul3A_185 = arith.constant 16 : i32
        %mul3A_186 = arith.muli %select_n3A_184, %mul3A_185 : i32
        %mul3A_187 = arith.constant 8192 : i32
        %mul3A_188 = arith.muli %select_n3A, %mul3A_187 : i32
        %add3A_189 = arith.addi %mul3A_188, %mul3A_2 : i32
        %add3A_190 = arith.addi %add3A_189, %mul3A_186 : i32
        %add3A_191 = vector.broadcast %add3A_190 : i32 to vector<16xi32>
        %add3A_192 = arith.addi %add3A_191, %iota3A : vector<16xi32>
        %swap3A = arith.constant 0 : index
        %swap3A_193 = tpu.vector_load %arg8[%swap3A] masked %eq3A_144 {strides = array<i32>} : memref<16xi32, #tpu.memory_space<vmem>>, vector<16xi32>, vector<16xi1>
        tpu.vector_store %arg8[%swap3A], %add3A_192 masked %eq3A_144 {strides = array<i32>} : memref<16xi32, #tpu.memory_space<vmem>>, vector<16xi32>, vector<16xi1>
        %get3A_194 = arith.constant 0 : index
        %get3A_195 = tpu.vector_load %arg8[%get3A_194] {strides = array<i32>} : memref<16xi32, #tpu.memory_space<vmem>>, vector<16xi32>,
        %slice3A_196 = vector.extract_strided_slice %get3A_195 {offsets = [0], sizes = [1], strides = [1]} : vector<16xi32> to vector<1xi32>
        %squeeze3A_197 = vector.extract %slice3A_196[0] : i32 from vector<1xi32>
        %broadcast_in_dim3A = vector.broadcast %squeeze3A_197 : i32 to vector<16xi32>
        %select_n3A_198 = arith.select %eq3A_144, %add3A_192, %broadcast_in_dim3A : vector<16xi1>, vector<16xi32>
        %swap3A_199 = arith.index_cast %scan3A_139 : i32 to index
        %swap3A_200 = arith.constant 0 : index
        %swap3A_201 = tpu.vector_load %arg7[%swap3A_199, %swap3A_200] {strides = array<i32>} : memref<64x16xi32, #tpu.memory_space<vmem>>, vector<16xi32>,
        tpu.vector_store %arg7[%swap3A_199, %swap3A_200], %select_n3A_198 {strides = array<i32>} : memref<64x16xi32, #tpu.memory_space<vmem>>, vector<16xi32>,
      } else {
      }
      %gt3A_150 = arith.constant 0 : i32
      %gt3A_151 = arith.cmpi sgt, %squeeze3A, %gt3A_150 : i32
      %convert_element_type3A_152 = arith.extui %gt3A_151 : i1 to i32
      %add3A_153 = arith.addi %scan3A_139, %convert_element_type3A_152 : i32
      scf.yield %add3A_153 : i32
    }
    %scan3A_82 = arith.constant 64 : i32
    %dma_wait3A_83 = arith.constant 0 : i32
    %dma_wait3A_84 = tpu.memref_slice %arg3[%mul3A_2, %dma_wait3A_83] : memref<8192x128xf32, #tpu.memory_space<hbm>> -> memref<256x128xf32, #tpu.memory_space<hbm>>
    %dma_wait3A_85 = arith.constant 0 : i32
    %dma_wait3A_86 = tpu.memref_slice %arg3[%mul3A_2, %dma_wait3A_85] : memref<8192x128xf32, #tpu.memory_space<hbm>> -> memref<256x128xf32, #tpu.memory_space<hbm>>
    tpu.wait_dma2 semaphore(%arg11 : memref<!tpu.dma_semaphore, #tpu.memory_space<semaphore_mem>>) src(%dma_wait3A_86 : memref<256x128xf32, #tpu.memory_space<hbm>>) dst(%arg5 : memref<256x128xf32, #tpu.memory_space<vmem>>)
    %add3A_87 = arith.constant 0 : i32
    %add3A_88 = arith.addi %add3A_87, %mul3A_2 : i32
    %dma_start3A_89 = arith.constant 0 : i32
    %dma_start3A_90 = tpu.memref_slice %arg4[%add3A_88, %dma_start3A_89] : memref<32768x128xf32, #tpu.memory_space<hbm>> -> memref<256x128xf32, #tpu.memory_space<hbm>>
    %dma_start3A_91 = arith.constant 0 : i32
    %dma_start3A_92 = tpu.memref_slice %arg4[%add3A_88, %dma_start3A_91] : memref<32768x128xf32, #tpu.memory_space<hbm>> -> memref<256x128xf32, #tpu.memory_space<hbm>>
    tpu.enqueue_dma source(%arg5 : memref<256x128xf32, #tpu.memory_space<vmem>>) target(%dma_start3A_92 : memref<256x128xf32, #tpu.memory_space<hbm>>) target_semaphore(%arg12 : memref<!tpu.dma_semaphore, #tpu.memory_space<semaphore_mem>>)
    %add3A_93 = arith.constant 8192 : i32
    %add3A_94 = arith.addi %add3A_93, %mul3A_2 : i32
    %dma_start3A_95 = arith.constant 0 : i32
    %dma_start3A_96 = tpu.memref_slice %arg4[%add3A_94, %dma_start3A_95] : memref<32768x128xf32, #tpu.memory_space<hbm>> -> memref<256x128xf32, #tpu.memory_space<hbm>>
    %dma_start3A_97 = arith.constant 0 : i32
    %dma_start3A_98 = tpu.memref_slice %arg4[%add3A_94, %dma_start3A_97] : memref<32768x128xf32, #tpu.memory_space<hbm>> -> memref<256x128xf32, #tpu.memory_space<hbm>>
    tpu.enqueue_dma source(%arg5 : memref<256x128xf32, #tpu.memory_space<vmem>>) target(%dma_start3A_98 : memref<256x128xf32, #tpu.memory_space<hbm>>) target_semaphore(%arg12 : memref<!tpu.dma_semaphore, #tpu.memory_space<semaphore_mem>>)
    %add3A_99 = arith.constant 16384 : i32
    %add3A_100 = arith.addi %add3A_99, %mul3A_2 : i32
    %dma_start3A_101 = arith.constant 0 : i32
    %dma_start3A_102 = tpu.memref_slice %arg4[%add3A_100, %dma_start3A_101] : memref<32768x128xf32, #tpu.memory_space<hbm>> -> memref<256x128xf32, #tpu.memory_space<hbm>>
    %dma_start3A_103 = arith.constant 0 : i32
    %dma_start3A_104 = tpu.memref_slice %arg4[%add3A_100, %dma_start3A_103] : memref<32768x128xf32, #tpu.memory_space<hbm>> -> memref<256x128xf32, #tpu.memory_space<hbm>>
    tpu.enqueue_dma source(%arg5 : memref<256x128xf32, #tpu.memory_space<vmem>>) target(%dma_start3A_104 : memref<256x128xf32, #tpu.memory_space<hbm>>) target_semaphore(%arg12 : memref<!tpu.dma_semaphore, #tpu.memory_space<semaphore_mem>>)
    %add3A_105 = arith.constant 24576 : i32
    %add3A_106 = arith.addi %add3A_105, %mul3A_2 : i32
    %dma_start3A_107 = arith.constant 0 : i32
    %dma_start3A_108 = tpu.memref_slice %arg4[%add3A_106, %dma_start3A_107] : memref<32768x128xf32, #tpu.memory_space<hbm>> -> memref<256x128xf32, #tpu.memory_space<hbm>>
    %dma_start3A_109 = arith.constant 0 : i32
    %dma_start3A_110 = tpu.memref_slice %arg4[%add3A_106, %dma_start3A_109] : memref<32768x128xf32, #tpu.memory_space<hbm>> -> memref<256x128xf32, #tpu.memory_space<hbm>>
    tpu.enqueue_dma source(%arg5 : memref<256x128xf32, #tpu.memory_space<vmem>>) target(%dma_start3A_110 : memref<256x128xf32, #tpu.memory_space<hbm>>) target_semaphore(%arg12 : memref<!tpu.dma_semaphore, #tpu.memory_space<semaphore_mem>>)
    %dma_wait3A_111 = arith.constant 0 : i32
    %dma_wait3A_112 = tpu.memref_slice %arg4[%add3A_88, %dma_wait3A_111] : memref<32768x128xf32, #tpu.memory_space<hbm>> -> memref<256x128xf32, #tpu.memory_space<hbm>>
    %dma_wait3A_113 = arith.constant 0 : i32
    %dma_wait3A_114 = tpu.memref_slice %arg4[%add3A_88, %dma_wait3A_113] : memref<32768x128xf32, #tpu.memory_space<hbm>> -> memref<256x128xf32, #tpu.memory_space<hbm>>
    tpu.wait_dma2 semaphore(%arg12 : memref<!tpu.dma_semaphore, #tpu.memory_space<semaphore_mem>>) src(%arg5 : memref<256x128xf32, #tpu.memory_space<vmem>>) dst(%dma_wait3A_114 : memref<256x128xf32, #tpu.memory_space<hbm>>)
    %dma_wait3A_115 = arith.constant 0 : i32
    %dma_wait3A_116 = tpu.memref_slice %arg4[%add3A_94, %dma_wait3A_115] : memref<32768x128xf32, #tpu.memory_space<hbm>> -> memref<256x128xf32, #tpu.memory_space<hbm>>
    %dma_wait3A_117 = arith.constant 0 : i32
    %dma_wait3A_118 = tpu.memref_slice %arg4[%add3A_94, %dma_wait3A_117] : memref<32768x128xf32, #tpu.memory_space<hbm>> -> memref<256x128xf32, #tpu.memory_space<hbm>>
    tpu.wait_dma2 semaphore(%arg12 : memref<!tpu.dma_semaphore, #tpu.memory_space<semaphore_mem>>) src(%arg5 : memref<256x128xf32, #tpu.memory_space<vmem>>) dst(%dma_wait3A_118 : memref<256x128xf32, #tpu.memory_space<hbm>>)
    %dma_wait3A_119 = arith.constant 0 : i32
    %dma_wait3A_120 = tpu.memref_slice %arg4[%add3A_100, %dma_wait3A_119] : memref<32768x128xf32, #tpu.memory_space<hbm>> -> memref<256x128xf32, #tpu.memory_space<hbm>>
    %dma_wait3A_121 = arith.constant 0 : i32
    %dma_wait3A_122 = tpu.memref_slice %arg4[%add3A_100, %dma_wait3A_121] : memref<32768x128xf32, #tpu.memory_space<hbm>> -> memref<256x128xf32, #tpu.memory_space<hbm>>
    tpu.wait_dma2 semaphore(%arg12 : memref<!tpu.dma_semaphore, #tpu.memory_space<semaphore_mem>>) src(%arg5 : memref<256x128xf32, #tpu.memory_space<vmem>>) dst(%dma_wait3A_122 : memref<256x128xf32, #tpu.memory_space<hbm>>)
    %dma_wait3A_123 = arith.constant 0 : i32
    %dma_wait3A_124 = tpu.memref_slice %arg4[%add3A_106, %dma_wait3A_123] : memref<32768x128xf32, #tpu.memory_space<hbm>> -> memref<256x128xf32, #tpu.memory_space<hbm>>
    %dma_wait3A_125 = arith.constant 0 : i32
    %dma_wait3A_126 = tpu.memref_slice %arg4[%add3A_106, %dma_wait3A_125] : memref<32768x128xf32, #tpu.memory_space<hbm>> -> memref<256x128xf32, #tpu.memory_space<hbm>>
    tpu.wait_dma2 semaphore(%arg12 : memref<!tpu.dma_semaphore, #tpu.memory_space<semaphore_mem>>) src(%arg5 : memref<256x128xf32, #tpu.memory_space<vmem>>) dst(%dma_wait3A_126 : memref<256x128xf32, #tpu.memory_space<hbm>>)
    %gt3A = arith.constant 0 : i32
    %gt3A_127 = arith.cmpi sgt, %scan3A_81, %gt3A : i32
    %convert_element_type3A = arith.extui %gt3A_127 : i1 to i32
    %cond3A = arith.constant 0 : i32
    %cond3A_128 = arith.cmpi ne, %convert_element_type3A, %cond3A : i32
    scf.if %cond3A_128 {
      %scan3A_138 = arith.constant 0 : i32
      %scan3A_139 = arith.constant 0 : i32
      %scan3A_140 = arith.constant 16 : i32
      %scan3A_141 = arith.addi %scan3A_139, %scan3A_140 : i32
      %scan3A_142 = arith.constant 1 : i32
      scf.for %scan3A_144 = %scan3A_139 to %scan3A_141 step %scan3A_142  : i32 {
        %broadcast_in_dim3A = arith.constant 0.000000e+00 : f32
        %broadcast_in_dim3A_145 = vector.broadcast %broadcast_in_dim3A : f32 to vector<16xf32>
        %swap3A = arith.index_cast %scan3A_144 : i32 to index
        %swap3A_146 = arith.constant 0 : index
        %swap3A_147 = tpu.vector_load %arg9[%swap3A, %swap3A_146] {strides = array<i32>} : memref<16x128xf32, #tpu.memory_space<vmem>>, vector<16xf32>,
        tpu.vector_store %arg9[%swap3A, %swap3A_146], %broadcast_in_dim3A_145 {strides = array<i32>} : memref<16x128xf32, #tpu.memory_space<vmem>>, vector<16xf32>,
        %broadcast_in_dim3A_148 = arith.constant 0.000000e+00 : f32
        %broadcast_in_dim3A_149 = vector.broadcast %broadcast_in_dim3A_148 : f32 to vector<16xf32>
        %swap3A_150 = arith.index_cast %scan3A_144 : i32 to index
        %swap3A_151 = arith.constant 16 : index
        %swap3A_152 = tpu.vector_load %arg9[%swap3A_150, %swap3A_151] {strides = array<i32>} : memref<16x128xf32, #tpu.memory_space<vmem>>, vector<16xf32>,
        tpu.vector_store %arg9[%swap3A_150, %swap3A_151], %broadcast_in_dim3A_149 {strides = array<i32>} : memref<16x128xf32, #tpu.memory_space<vmem>>, vector<16xf32>,
        %broadcast_in_dim3A_153 = arith.constant 0.000000e+00 : f32
        %broadcast_in_dim3A_154 = vector.broadcast %broadcast_in_dim3A_153 : f32 to vector<16xf32>
        %swap3A_155 = arith.index_cast %scan3A_144 : i32 to index
        %swap3A_156 = arith.constant 32 : index
        %swap3A_157 = tpu.vector_load %arg9[%swap3A_155, %swap3A_156] {strides = array<i32>} : memref<16x128xf32, #tpu.memory_space<vmem>>, vector<16xf32>,
        tpu.vector_store %arg9[%swap3A_155, %swap3A_156], %broadcast_in_dim3A_154 {strides = array<i32>} : memref<16x128xf32, #tpu.memory_space<vmem>>, vector<16xf32>,
        %broadcast_in_dim3A_158 = arith.constant 0.000000e+00 : f32
        %broadcast_in_dim3A_159 = vector.broadcast %broadcast_in_dim3A_158 : f32 to vector<16xf32>
        %swap3A_160 = arith.index_cast %scan3A_144 : i32 to index
        %swap3A_161 = arith.constant 48 : index
        %swap3A_162 = tpu.vector_load %arg9[%swap3A_160, %swap3A_161] {strides = array<i32>} : memref<16x128xf32, #tpu.memory_space<vmem>>, vector<16xf32>,
        tpu.vector_store %arg9[%swap3A_160, %swap3A_161], %broadcast_in_dim3A_159 {strides = array<i32>} : memref<16x128xf32, #tpu.memory_space<vmem>>, vector<16xf32>,
        %broadcast_in_dim3A_163 = arith.constant 0.000000e+00 : f32
        %broadcast_in_dim3A_164 = vector.broadcast %broadcast_in_dim3A_163 : f32 to vector<16xf32>
        %swap3A_165 = arith.index_cast %scan3A_144 : i32 to index
        %swap3A_166 = arith.constant 64 : index
        %swap3A_167 = tpu.vector_load %arg9[%swap3A_165, %swap3A_166] {strides = array<i32>} : memref<16x128xf32, #tpu.memory_space<vmem>>, vector<16xf32>,
        tpu.vector_store %arg9[%swap3A_165, %swap3A_166], %broadcast_in_dim3A_164 {strides = array<i32>} : memref<16x128xf32, #tpu.memory_space<vmem>>, vector<16xf32>,
        %broadcast_in_dim3A_168 = arith.constant 0.000000e+00 : f32
        %broadcast_in_dim3A_169 = vector.broadcast %broadcast_in_dim3A_168 : f32 to vector<16xf32>
        %swap3A_170 = arith.index_cast %scan3A_144 : i32 to index
        %swap3A_171 = arith.constant 80 : index
        %swap3A_172 = tpu.vector_load %arg9[%swap3A_170, %swap3A_171] {strides = array<i32>} : memref<16x128xf32, #tpu.memory_space<vmem>>, vector<16xf32>,
        tpu.vector_store %arg9[%swap3A_170, %swap3A_171], %broadcast_in_dim3A_169 {strides = array<i32>} : memref<16x128xf32, #tpu.memory_space<vmem>>, vector<16xf32>,
        %broadcast_in_dim3A_173 = arith.constant 0.000000e+00 : f32
        %broadcast_in_dim3A_174 = vector.broadcast %broadcast_in_dim3A_173 : f32 to vector<16xf32>
        %swap3A_175 = arith.index_cast %scan3A_144 : i32 to index
        %swap3A_176 = arith.constant 96 : index
        %swap3A_177 = tpu.vector_load %arg9[%swap3A_175, %swap3A_176] {strides = array<i32>} : memref<16x128xf32, #tpu.memory_space<vmem>>, vector<16xf32>,
        tpu.vector_store %arg9[%swap3A_175, %swap3A_176], %broadcast_in_dim3A_174 {strides = array<i32>} : memref<16x128xf32, #tpu.memory_space<vmem>>, vector<16xf32>,
        %broadcast_in_dim3A_178 = arith.constant 0.000000e+00 : f32
        %broadcast_in_dim3A_179 = vector.broadcast %broadcast_in_dim3A_178 : f32 to vector<16xf32>
        %swap3A_180 = arith.index_cast %scan3A_144 : i32 to index
        %swap3A_181 = arith.constant 112 : index
        %swap3A_182 = tpu.vector_load %arg9[%swap3A_180, %swap3A_181] {strides = array<i32>} : memref<16x128xf32, #tpu.memory_space<vmem>>, vector<16xf32>,
        tpu.vector_store %arg9[%swap3A_180, %swap3A_181], %broadcast_in_dim3A_179 {strides = array<i32>} : memref<16x128xf32, #tpu.memory_space<vmem>>, vector<16xf32>,
      }
      %scan3A_143 = arith.constant 16 : i32
    } else {
    }
    %while3A = arith.constant 0 : i32
    %while3A_129 = arith.constant 0 : i32
    %while3A_130 = arith.subi %scan3A_81, %while3A_129 : i32
    %while3A_131 = arith.addi %while3A_129, %while3A_130 : i32
    %while3A_132 = arith.constant 1 : i32
    %while3A_133 = arith.divsi %while3A_130, %while3A_132 : i32
    %while3A_134 = arith.muli %while3A_133, %while3A_132 : i32
    %while3A_135 = arith.addi %while3A_129, %while3A_134 : i32
    %while3A_136 = arith.constant 1 : i32
    scf.for %while3A_138 = %while3A_129 to %while3A_135 step %while3A_136  : i32 {
      %dma_start3A_139 = arith.constant 0 : i32
      %dma_start3A_140 = tpu.memref_slice %arg7[%while3A_138, %dma_start3A_139] : memref<64x16xi32, #tpu.memory_space<vmem>> -> memref<1x16xi32, #tpu.memory_space<vmem>>
      %dma_start3A_141 = tpu.memref_squeeze %dma_start3A_140 : memref<1x16xi32, #tpu.memory_space<vmem>> -> memref<16xi32, #tpu.memory_space<vmem>>
      %dma_start3A_142 = arith.constant 0 : i32
      %dma_start3A_143 = arith.constant 0 : i32
      %dma_start3A_144 = tpu.memref_slice %arg4[%dma_start3A_142, %dma_start3A_143] : memref<32768x128xf32, #tpu.memory_space<hbm>> -> memref<32768x128xf32, #tpu.memory_space<hbm>>
      tpu.enqueue_indirect_dma source(%arg9 : memref<16x128xf32, #tpu.memory_space<vmem>>) target(%dma_start3A_144 : memref<32768x128xf32, #tpu.memory_space<hbm>>) offsets(%dma_start3A_141 : memref<16xi32, #tpu.memory_space<vmem>>) semaphore(%arg13 : memref<!tpu.dma_semaphore, #tpu.memory_space<semaphore_mem>>)
      %dma_wait3A_145 = arith.constant 0 : i32
      %dma_wait3A_146 = tpu.memref_slice %arg7[%while3A_138, %dma_wait3A_145] : memref<64x16xi32, #tpu.memory_space<vmem>> -> memref<1x16xi32, #tpu.memory_space<vmem>>
      %dma_wait3A_147 = tpu.memref_squeeze %dma_wait3A_146 : memref<1x16xi32, #tpu.memory_space<vmem>> -> memref<16xi32, #tpu.memory_space<vmem>>
      %dma_wait3A_148 = arith.constant 0 : i32
      %dma_wait3A_149 = arith.constant 0 : i32
      %dma_wait3A_150 = tpu.memref_slice %arg4[%dma_wait3A_148, %dma_wait3A_149] : memref<32768x128xf32, #tpu.memory_space<hbm>> -> memref<32768x128xf32, #tpu.memory_space<hbm>>
      tpu.wait_indirect_dma semaphore(%arg13 : memref<!tpu.dma_semaphore, #tpu.memory_space<semaphore_mem>>) src(%arg9 : memref<16x128xf32, #tpu.memory_space<vmem>>) dst(%dma_wait3A_150 : memref<32768x128xf32, #tpu.memory_space<hbm>>)
    }
    %while3A_137 = arith.constant 1 : i32
    scf.for %while3A_138 = %while3A_135 to %while3A_131 step %while3A_137  : i32 {
      %dma_start3A_139 = arith.constant 0 : i32
      %dma_start3A_140 = tpu.memref_slice %arg7[%while3A_138, %dma_start3A_139] : memref<64x16xi32, #tpu.memory_space<vmem>> -> memref<1x16xi32, #tpu.memory_space<vmem>>
      %dma_start3A_141 = tpu.memref_squeeze %dma_start3A_140 : memref<1x16xi32, #tpu.memory_space<vmem>> -> memref<16xi32, #tpu.memory_space<vmem>>
      %dma_start3A_142 = arith.constant 0 : i32
      %dma_start3A_143 = arith.constant 0 : i32
      %dma_start3A_144 = tpu.memref_slice %arg4[%dma_start3A_142, %dma_start3A_143] : memref<32768x128xf32, #tpu.memory_space<hbm>> -> memref<32768x128xf32, #tpu.memory_space<hbm>>
      tpu.enqueue_indirect_dma source(%arg9 : memref<16x128xf32, #tpu.memory_space<vmem>>) target(%dma_start3A_144 : memref<32768x128xf32, #tpu.memory_space<hbm>>) offsets(%dma_start3A_141 : memref<16xi32, #tpu.memory_space<vmem>>) semaphore(%arg13 : memref<!tpu.dma_semaphore, #tpu.memory_space<semaphore_mem>>)
      %dma_wait3A_145 = arith.constant 0 : i32
      %dma_wait3A_146 = tpu.memref_slice %arg7[%while3A_138, %dma_wait3A_145] : memref<64x16xi32, #tpu.memory_space<vmem>> -> memref<1x16xi32, #tpu.memory_space<vmem>>
      %dma_wait3A_147 = tpu.memref_squeeze %dma_wait3A_146 : memref<1x16xi32, #tpu.memory_space<vmem>> -> memref<16xi32, #tpu.memory_space<vmem>>
      %dma_wait3A_148 = arith.constant 0 : i32
      %dma_wait3A_149 = arith.constant 0 : i32
      %dma_wait3A_150 = tpu.memref_slice %arg4[%dma_wait3A_148, %dma_wait3A_149] : memref<32768x128xf32, #tpu.memory_space<hbm>> -> memref<32768x128xf32, #tpu.memory_space<hbm>>
      tpu.wait_indirect_dma semaphore(%arg13 : memref<!tpu.dma_semaphore, #tpu.memory_space<semaphore_mem>>) src(%arg9 : memref<16x128xf32, #tpu.memory_space<vmem>>) dst(%dma_wait3A_150 : memref<32768x128xf32, #tpu.memory_space<hbm>>)
    }
    return
  }
}

</mosaic_0001>

<sc_bundles>
// kernel: _run.3.cloned.1.call-start
scs
__scs_entry_jumppad:
0x0: {  	(pc) =	sbr.rel $0x88, $3  }
0x1: {  	(tag) =	ssettag $0x0;
	lr =	simm.s32 $0x1  }
0x2: {  	[smem:$0x3F9F] =	sst lr;
	_ =	strace $0xD0000000  }
0x3: {  	_ = 	snop  }
0x4: {  	_ = 	snop  }
0x5: {  	_ = 	snop  }
0x6: {  	_ = 	snop  }
0x7: {  	_ = 	snop  }
__scs_overlays_trampoline_lowered:
0x8: {  	[smem:$0x3FAE] =	sst s0  }
0x9: {  	[smem:$0x3FAF] =	sst s1  }
0xa: {  	[smem:$0x3FB0] =	sst s2  }
0xb: {  	[smem:$0x3FB1] =	sst s3  }
0xc: {  	[smem:$0x3FB2] =	sst s4  }
0xd: {  	[smem:$0x3FB3] =	sst s5  }
0xe: {  	[smem:$0x3FB4] =	sst s6  }
0xf: {  	[smem:$0x3FB5] =	sst s7  }
0x10: {  	[smem:$0x3FB6] =	sst s8  }
0x11: {  	[smem:$0x3FB7] =	sst s9;
	s0 =	simm.s32 @!p0 $0x0  }
0x12: {  	s1 =	sld [smem:$0x3F9D];
	s0 =	simm.s32 @p0 $0x1  }
0x13: {  	[smem:$0x3FB8] =	sst s0;
	s0 =	simm.s32 @!p1 $0x0  }
0x14: {  	s2 =	sld [smem:$0x3F9C];
	s0 =	simm.s32 @p1 $0x1  }
0x15: {  	[smem:$0x3FB9] =	sst s0;
	s0 =	simm.s32 @!p2 $0x0  }
0x16: {  	s3 =	sld [smem:$0x3FDB];
	s0 =	simm.s32 @p2 $0x1  }
0x17: {  	s4 =	simm.s32 $0x1BF5;
	[smem:$0x3FBB] =	sst s0  }
0x18: {  	s0 =	sld [smem:$0x3F9E];
	_ =	swait.ge [sflag:s4], $0x0  }
0x19: {  	s7 =	sld [smem:$0x3F9F]  }
0x1a: {  	s8 =	sadd.s32 $0xFFFFE003, lr  }
0x1b: {  	s9 =	sadd.s32 $0xFFFFFEF7, lr;
	s5 =	simm.s32 $0xFFFFFFFF;
	p2 =	slt.u32 s8, $0xFFFFF086  }
0x1c: {  	p1 =	slt.u32 s9, $0xF7A;
	s5 =	simm.s32 @!p2 $0x0  }
0x1d: {  	s5 =	simm.s32 @p1 $0x1;
	p0 =	seq.s32 s7, s2  }
0x1e: {  	s7 =	smul.u32 @!p0 $0xF7A, s2;
	p2 =	seq.s32 @!p0 s5, $0x0  }
0x1f: {  	s9 =	smul.u32 $0xF7A, s1;
	s8 =	simm.s32 @!p0 $0x1BF5;
	p2 =	por !p2, p0  }
0x20: {  	[sflag:s8] =	ssyncset.s32 @!p0 $0xFFFFF086;
	s6 =	sadd.s32 @!p0 s3, s7;
	s7 =	simm.s32 @!p0 $0x108  }
0x21: {  	s3 =	sadd.s32 s3, s9;
	s6 =	sadd.s32 @!p0 $0x88, s6;
	s7 =	simm.s32 @p2 $0x1082  }
0x22: {  	[simem:s7], [sflag:s8] =	dma.local @!p0 [hbm:s6], $0xF7A  }
0x23: {  	s9 =	sor.u32 $0xD0000000, s2;
	s6 =	simm.s32 $0x108;
	_ =	swait.ge @!p0 [sflag:s8], $0x0  }
0x24: {  	s3 =	sadd.s32 $0x88, s3;
	s6 =	simm.s32 @!p1 $0x1082;
	[sflag:s4] =	ssyncset.s32 $0xFFFFF086  }
0x25: {  	[simem:s6], [sflag:s4] =	dma.local [hbm:s3], $0xF7A  }
0x26: {  	[smem:$0x3F9F] =	sst s1;
	(tag) =	ssettag s2;
	_ =	strace s9  }
0x27: {  	s1 =	sld [smem:$0x3FAF]  }
0x28: {  	s2 =	sld [smem:$0x3FB0]  }
0x29: {  	s4 =	sld [smem:$0x3FB2]  }
0x2a: {  	p0 =	seq.s32 s5, $0x0;
	s5 =	sld [smem:$0x3FB3]  }
0x2b: {  	s6 =	sld [smem:$0x3FB4]  }
0x2c: {  	s7 =	sld [smem:$0x3FB5]  }
0x2d: {  	s3 =	simm.s32 $0x108;
	s8 =	sld [smem:$0x3FB6]  }
0x2e: {  	s3 =	simm.s32 @!p0 $0x1082;
	s9 =	sld [smem:$0x3FB7]  }
0x2f: {  	lr =	sadd.s32 s0, s3;
	s0 =	sld [smem:$0x3FAE]  }
0x30: {  	s3 =	sld [smem:$0x3FB1]  }
0x31: {  	[smem:$0x3FBA] =	sst s10  }
0x32: {  	s10 =	sld [smem:$0x3FB8];
	_ =	sdelay $0x3  }
0x33: {  	p0 =	seq.s32 s10, $0x1;
	s10 =	sld [smem:$0x3FBA];
	_ =	sdelay $0x3  }
0x34: {  	[smem:$0x3FBA] =	sst s10  }
0x35: {  	s10 =	sld [smem:$0x3FB9];
	_ =	sdelay $0x3  }
0x36: {  	p1 =	seq.s32 s10, $0x1;
	s10 =	sld [smem:$0x3FBA];
	_ =	sdelay $0x3  }
0x37: {  	[smem:$0x3FBA] =	sst s10  }
0x38: {  	s10 =	sld [smem:$0x3FBB]  }
0x39: {  	_ = 	snop;
	(pc) =	sbr.ind lr, $3  }
0x3a: {  	_ = 	snop  }
0x3b: {  	_ = 	snop  }
0x3c: {  	p2 =	seq.s32 s10, $0x1;
	s10 =	sld [smem:$0x3FBA]  }
0x3d: {  	_ =	shalt  }
0x3e: {  	_ =	shalt  }
0x3f: {  	_ =	shalt  }
0x40: {  	_ =	shalt  }
0x41: {  	_ =	shalt  }
0x42: {  	_ =	shalt  }
0x43: {  	_ =	shalt  }
0x44: {  	_ =	shalt  }
0x45: {  	_ =	shalt  }
0x46: {  	_ =	shalt  }
0x47: {  	_ =	shalt  }
0x48: {  	_ =	shalt  }
0x49: {  	_ =	shalt  }
0x4a: {  	_ =	shalt  }
0x4b: {  	_ =	shalt  }
0x4c: {  	_ =	shalt  }
0x4d: {  	_ =	shalt  }
0x4e: {  	_ =	shalt  }
0x4f: {  	_ =	shalt  }
0x50: {  	_ =	shalt  }
0x51: {  	_ =	shalt  }
0x52: {  	_ =	shalt  }
0x53: {  	_ =	shalt  }
0x54: {  	_ =	shalt  }
0x55: {  	_ =	shalt  }
0x56: {  	_ =	shalt  }
0x57: {  	_ =	shalt  }
0x58: {  	_ =	shalt  }
0x59: {  	_ =	shalt  }
0x5a: {  	_ =	shalt  }
0x5b: {  	_ =	shalt  }
0x5c: {  	_ =	shalt  }
0x5d: {  	_ =	shalt  }
0x5e: {  	_ =	shalt  }
0x5f: {  	_ =	shalt  }
0x60: {  	_ =	shalt  }
0x61: {  	_ =	shalt  }
0x62: {  	_ =	shalt  }
0x63: {  	_ =	shalt  }
0x64: {  	_ =	shalt  }
0x65: {  	_ =	shalt  }
0x66: {  	_ =	shalt  }
0x67: {  	_ =	shalt  }
0x68: {  	_ =	shalt  }
0x69: {  	_ =	shalt  }
0x6a: {  	_ =	shalt  }
0x6b: {  	_ =	shalt  }
0x6c: {  	_ =	shalt  }
0x6d: {  	_ =	shalt  }
0x6e: {  	_ =	shalt  }
0x6f: {  	_ =	shalt  }
0x70: {  	_ =	shalt  }
0x71: {  	_ =	shalt  }
0x72: {  	_ =	shalt  }
0x73: {  	_ =	shalt  }
0x74: {  	_ =	shalt  }
0x75: {  	_ =	shalt  }
0x76: {  	_ =	shalt  }
0x77: {  	_ =	shalt  }
0x78: {  	_ =	shalt  }
0x79: {  	_ =	shalt  }
0x7a: {  	_ =	shalt  }
0x7b: {  	_ =	shalt  }
0x7c: {  	_ =	shalt  }
0x7d: {  	_ =	shalt  }
0x7e: {  	_ =	shalt  }
0x7f: {  	_ =	shalt  }
0x80: {  	_ =	shalt  }
0x81: {  	_ =	shalt  }
0x82: {  	_ =	shalt  }
0x83: {  	_ =	shalt  }
0x84: {  	_ =	shalt  }
0x85: {  	_ =	shalt  }
0x86: {  	_ =	shalt  }
0x87: {  	_ =	shalt  }
.Lfunc_end0:
.L_simem_size_0:
called_computation_lowered:
.L_overlay_start_0:
0x88: {  	s2 =	sld [smem:$0x3FD9]  }
0x89: {  	s3 =	sld [smem:$0x3FFE];
	_ =	sdelay $0x1  }
0x8a: {  	s1 =	srdreg.scid  }
0x8b: {  	s0 =	sand.u32 $0x1, s1  }
0x8c: {  	s17 =	sshll.u32 s0, $0xA;
	s2 =	sadd.s32 s3, s2  }
0x8d: {  	s2 =	sadd.s32 s2, s17  }
0x8e: {  	[smem:$0x3FC6] =	sst s2  }
0x8f: {  	_ = 	snop  }
0x90: {  	s2 =	sld [smem:$0x3FC8]  }
0x91: {  	s18 =	sld [smem:$0x3FD0];
	(tm) =	ssettm $0x1  }
0x92: {  	s4 =	sld [smem:$0x3FFB];
	_ =	sdelay $0x3  }
0x93: {  	_ =	strace s4  }
0x94: {  	s4 =	sld [smem:$0x3FFC];
	_ =	sdelay $0x3  }
0x95: {  	_ =	strace s4  }
0x96: {  	s4 =	sld [smem:$0x3FFD];
	_ =	sdelay $0x3  }
0x97: {  	_ =	strace s4  }
0x98: {  	_ =	strace $0x8FFFFFFF  }
0x99: {  	s19 =	sld [smem:$0x3FDB];
	_ =	sdelay $0x1  }
0x9a: {  	s5 =	simm.s32 $_scs_section_size  }
0x9b: {  	s6 =	simm.s32 $_size__tile_overlayer_lowered;
	s7 =	simm.s32 $_tile_overlayer_lowered  }
0x9c: {  	s22 =	simm.s32 $0x1BFF;
	s21 =	sshll.u32 s7, $0x1;
	s4 =	sadd.s32 s5, s19  }
0x9d: {  	s8 =	simm.s32 $0x0;
	s20 =	sshll.u32 s6, $0x1;
	s6 =	sadd.s32 s21, s4  }
0x9e: {  	[timem:s8], [sflag:s22] =	dma.local [hbm:s6], s20  }
0x9f: {  	_ =	swait.ge [sflag:s22], s20  }
0xa0: {  	s5 =	ssub.s32 $0x0, s20;
	[sflag:s22] =	ssyncset.done $0x0  }
0xa1: {  	[sflag:s22] =	ssyncadd.s32 s5;
	_ =	sdelay $0x1  }
0xa2: {  	s23 =	simm.s32 $0x1B8B  }
0xa3: {  	_ =	swait.ge [sflag:s23], $0x1  }
0xa4: {  	[sflag:s23] =	ssyncset.done $0x0  }
0xa5: {  	s25 =	simm.s32 $0x1B8E;
	s24 =	sld [smem:$0x3FFE];
	[sflag:s23] =	ssyncadd.s32 $0xFFFFFFFF  }
0xa6: {  	s26 =	simm.s32 $execute0_lowered;
	[smem:$0x3FD2] =	sst s25  }
0xa7: {  	s6 =	sshll.u32 s26, $0x1;
	_ =	strace $0x80000046;
	[dreg:$0x1] =	wrdreg $0xFFFFFFFF  }
0xa8: {  	s28 =	simm.s32 $_size_execute0_lowered;
	s4 =	sadd.s32 s4, s6;
	[dreg:$0x0] =	wrdreg $0x0  }
0xa9: {  	s6 =	sshll.u32 s28, $0x1;
	[dreg:$0x2] =	wrdreg s4  }
0xaa: {  	[dreg:$0x3] =	wrdreg s6  }
0xab: {  	[dreg:$0x4] =	wrdreg $0xC0  }
0xac: {  	_ =	task [dreg:s8], $0x5FFFF  }
0xad: {  	[dreg:$0x1] =	wrdreg $0xFFFFFFFF  }
0xae: {  	[dreg:$0x0] =	wrdreg $0x60  }
0xaf: {  	[dreg:$0x2] =	wrdreg s24  }
0xb0: {  	[dreg:$0x3] =	wrdreg s2  }
0xb1: {  	[dreg:$0x4] =	wrdreg s18  }
0xb2: {  	[dreg:$0x5] =	wrdreg $0x9  }
0xb3: {  	_ =	task.clear_ibuf [dreg:s8], $0x6FFFF;
	_ =	strace $0x90000046  }
0xb4: {  	s29 =	simm.s32 $0x9;
	_ =	strace $0x80000048  }
0xb5: {  	_ =	swait.ge [sflag:s29], $0x1  }
0xb6: {  	[sflag:s29] =	ssyncadd.s32 $0xFFFFFFFF  }
0xb7: {  	_ =	strace $0x90000048  }
0xb8: {  	_ =	sfence  }
0xb9: {  	s30 =	sld [smem:$0x0];
	_ =	sdelay $0x2  }
0xba: {  	s31 =	sshll.u32 s1, $0xD;
	s1 =	sshrl.u32 s1, $0x2  }
0xbb: {  	s3 =	sand.u32 $0x4000, s31;
	s1 =	sadd.s32 s1, s30  }
0xbc: {  	s0 =	sor.u32 s3, s0;
	s1 =	sshll.u32 s1, $0x11  }
0xbd: {  	s0 =	sor.u32 s1, s0  }
0xbe: {  	s0 =	sadd.s32 $0x8F2B, s0  }
0xbf: {  	[sflag:s0] =	ssyncadd.remote.s32 $0x1  }
0xc0: {  	_ =	sfence.sel $0xFFFF  }
0xc1: {  	[dreg:$0x0] =	wrdreg $0xFFFFFFFF;
	(pc) =	sbr.abs _section_cstart, $3  }
0xc2: {  	[dreg:$0x1] =	wrdreg $0xFFFFFFFF  }
0xc3: {  	_ =	task.clear_ibuf [dreg:s8], $0x2FFFF;
	_ =	strace $0x9FFFFFFF  }
0xc4: {  	(tm) =	ssettm $0x7FFFFFFF  }
0xc5: {  	_ =	shalt  }
tec
execute0_lowered:
.L_overlay_start_1:
0x0: {  	(tag) =	ssettag $0x1  }
0x1: {  	s0 =	rddreg [dreg:$0x0]  }
0x2: {  	s5 =	rddreg [dreg:$0x1]  }
0x3: {  	s2 =	rddreg [dreg:$0x2]  }
0x4: {  	s3 =	srdreg.scid;
	s1 =	stileid.u32  }
0x5: {  	s16 =	simm.s32 $0x8200;
	s17 =	simm.s32 $0x8300;
	s18 =	simm.s32 $0x1  }
0x6: {  	s19 =	simm.s32 $0x2;
	s20 =	simm.s32 $0x3;
	s21 =	simm.s32 $0x10  }
0x7: {  	s22 =	simm.s32 $0x8810;
	s23 =	simm.s32 $0x4;
	s24 =	simm.s32 $0x0  }
0x8: {  	s6 =	sand.u32 $0x1, s3;
	s3 =	simm.s32 $0x0;
	s4 =	sshll.u32 s1, $0x9  }
0x9: {  	s7 =	sshll.u32 s6, $0x8;
	[smem:$0x7FF] =	sst s3;
	s6 =	ssub.s32 $0x2, s6  }
0xa: {  	s4 =	sor.u32 s7, s4;
	_ =	strace $0x80000047;
	s31 =	sshrl.u32 s6, $0x1  }
.Ltmp0:
0xb: {  	s7 =	sshrl.u32 s4, $0x3;
	s9 =	sshll.u32 s4, $0x4;
	(pc) =	sbr.rel .LBB2_1-.Ltmp0, $4  }
0xc: {  	s14 =	ssub.s32 s6, s31;
	s0 =	sadd.s32 s7, s0;
	s5 =	sadd.s32 s5, s9  }
0xd: {  	s9 =	sadd.s32 s2, s9;
	s14 =	smax.u32 s14, $0x1;
	s6 =	sadd.s32 $0x400, s0  }
0xe: {  	s7 =	sadd.s32 $0x800, s0;
	s8 =	sadd.s32 $0xC00, s0;
	s10 =	sadd.s32 $0x1000, s0  }
0xf: {  	v0 =	vimm.f32 $0.0e+00;
	s11 =	sadd.s32 $0x20000, s9;
	s12 =	sadd.s32 $0x40000, s9;
	s13 =	sadd.s32 $0x60000, s9  }
.LBB2_8:
0x10: {  	[sflag:s23] =	ssyncadd.s32 $0xFFFFF800  }
.LBB2_9:
0x11: {  	s24 =	sadd.s32 $0x1, s24  }
0x12: {  	p0 =	sne.s32 s24, s14  }
.Ltmp1:
0x13: {  	_ = 	snop;
	(pc) =	sbr.rel @!p0 .LBB2_10-.Ltmp1, $1  }
0x14: {  	_ =	sdelay $0x3  }
.LBB2_1:
0x15: {  	[tilespmem:s3], [sflag:$0x2] =	stream.linear.gather [hbm4b:s5+s3], $0x8000, $0x38;
	[tilespmem:$0x9010] =	vst v63  }
0x16: {  	s26 =	simm.s32 $0x8000  }
0x17: {  	[tilespmem:s26], [sflag:$0x1] =	stream.linear.gather [hbm4b:s6+s3], $0x100, $0x38;
	[tilespmem:$0x9010] =	vst v63  }
0x18: {  	s0 =	simm.s32 $0x8100  }
0x19: {  	[tilespmem:s0], [sflag:$0x1] =	stream.linear.gather [hbm4b:s7+s3], $0x100, $0x38;
	[tilespmem:$0x9010] =	vst v63  }
0x1a: {  	_ = 	snop  }
0x1b: {  	[tilespmem:s16], [sflag:$0x1] =	stream.linear.gather [hbm4b:s8+s3], $0x100, $0x38;
	[tilespmem:$0x9010] =	vst v63  }
0x1c: {  	_ = 	snop  }
0x1d: {  	[tilespmem:s17], [sflag:$0x1] =	stream.linear.gather [hbm4b:s10+s3], $0x100, $0x38;
	[tilespmem:$0x9010] =	vst v63  }
0x1e: {  	_ =	swait.ge [sflag:s18], $0x100  }
0x1f: {  	[sflag:s18] =	ssyncset.done $0x0  }
0x20: {  	[sflag:s18] =	ssyncadd.s32 $0xFFFFFF00  }
0x21: {  	_ =	swait.ge [sflag:s18], $0x100  }
0x22: {  	[sflag:s18] =	ssyncset.done $0x0  }
0x23: {  	[sflag:s18] =	ssyncadd.s32 $0xFFFFFF00  }
0x24: {  	_ =	swait.ge [sflag:s18], $0x100  }
0x25: {  	[sflag:s18] =	ssyncset.done $0x0  }
0x26: {  	[sflag:s18] =	ssyncadd.s32 $0xFFFFFF00  }
0x27: {  	_ =	swait.ge [sflag:s18], $0x100  }
0x28: {  	[sflag:s18] =	ssyncset.done $0x0  }
0x29: {  	[sflag:s18] =	ssyncadd.s32 $0xFFFFFF00  }
0x2a: {  	v1 =	vld [tilespmem:s26+$0x0];
	_ =	sdelay $0x4  }
0x2b: {  	vm0 =	veq.s32 v1, $0x0  }
0x2c: {  	v2 =	vmpcnt.ones.xlane vm0;
	_ =	sdelay $0x1  }
0x2d: {  	(v2sf) =	vpush v2, $0x0;
	_ =	sdelay $0xe  }
0x2e: {  	s29 =	spop (v2sf)  }
0x2f: {  	p1 =	slt.s32 s29, $0x1  }
0x30: {  	s25 =	sand.u32 @!p1 $0xF0, s3;
	s28 =	sand.u32 @!p1 $0x6000, s3  }
0x31: {  	s25 =	sor.u32 @!p1 s28, s25  }
0x32: {  	v2 =	vlaneseq.u32 @!p1;
	s25 =	sor.u32 @!p1 s4, s25  }
0x33: {  	vm0 =	veq.s32 @!p1 v1, $0x0;
	v1 =	vor.u32 @!p1 s25, v2;
	s25 =	simm.s32 @!p1 $0x8800  }
0x34: {  	[tilespmem:s25+$0x0] =	vst.msk @!p1 vm0, v1  }
0x35: {  	v2 =	vld.msk @!p1 [tilespmem:$0x8800 ss:$0x0], $0xffff;
	_ =	sdelay $0x2  }
0x36: {  	p0 =	sgt.s32 s29, $0x0;
	s25 =	simm.s32 $0x1  }
0x37: {  	s30 =	simm.s32 $0x200;
	s25 =	simm.s32 @!p0 $0x0  }
0x38: {  	s31 =	simm.s32 $0x0;
	s0 =	simm.s32 @!p1 $0x0;
	s28 =	sadd.s32 $0x0, s25;
	v1 =	vsel @!p1 vm0, v1, v2  }
.LBB2_2:
0x39: {  	s25 =	smov.u32 s28;
	s26 =	sadd.s32 $0x10, s26  }
0x3a: {  	s31 =	sadd.s32 $0x10, s31;
	[tilespmem:s0+$0x8400] =	vst @!p1 v1;
	s0 =	smov.u32 s30;
	s30 =	sadd.s32 $0x200, s30  }
0x3b: {  	v1 =	vld [tilespmem:s26+$0x0];
	p0 =	sne.s32 s30, $0x8000;
	_ =	sdelay $0x4  }
0x3c: {  	vm0 =	veq.s32 v1, $0x0  }
0x3d: {  	v2 =	vmpcnt.ones.xlane vm0;
	_ =	sdelay $0x1  }
0x3e: {  	(v2sf) =	vpush v2, $0x0;
	_ =	sdelay $0xe  }
0x3f: {  	s29 =	spop (v2sf)  }
0x40: {  	p1 =	slt.s32 s29, $0x1  }
0x41: {  	p2 =	sgt.s32 s29, $0x0;
	s29 =	sand.u32 @!p1 $0xF0, s31;
	s0 =	sand.u32 @!p1 $0x6000, s0  }
0x42: {  	s1 =	sshll.u32 @!p1 s28, $0x6;
	s15 =	sor.u32 @!p1 s0, s29;
	s29 =	simm.s32 $0x1  }
0x43: {  	s0 =	sshra.s32 @!p1 s1, $0x2;
	s29 =	simm.s32 @!p2 $0x0  }
0x44: {  	v2 =	vlaneseq.u32 @!p1;
	s1 =	sor.u32 @!p1 s4, s15;
	s28 =	sadd.s32 s29, s28  }
0x45: {  	vm0 =	veq.s32 @!p1 v1, $0x0;
	v1 =	vor.u32 @!p1 s1, v2;
	s1 =	simm.s32 @!p1 $0x8800  }
0x46: {  	[tilespmem:s1+$0x0] =	vst.msk @!p1 vm0, v1  }
0x47: {  	v2 =	vld.msk @!p1 [tilespmem:$0x8800 ss:$0x0], $0xffff;
	_ =	sdelay $0x1  }
.Ltmp2:
0x48: {  	(pc) =	sbr.rel @p0 .LBB2_2-.Ltmp2, $2  }
0x49: {  	_ =	sdelay $0x2  }
0x4a: {  	v1 =	vsel @!p1 vm0, v1, v2  }
0x4b: {  	[tilespmem:s0+$0x8400] =	vst @!p1 v1  }
0x4c: {  	_ =	swait.ge [sflag:s19], $0x8000  }
0x4d: {  	[sflag:s19] =	ssyncset.done $0x0  }
0x4e: {  	s26 =	simm.s32 $0x0;
	[sflag:s19] =	ssyncadd.s32 $0xFFFF8000  }
0x4f: {  	[hbm4b:s9+s26] =	stream.linear.scatter [tilespmem:s26], [sflag:$0x3], $0x8000, $0x38;
	[tilespmem:$0x9010] =	vst v63  }
0x50: {  	_ = 	snop  }
0x51: {  	[hbm4b:s11+s26] =	stream.linear.scatter [tilespmem:s26], [sflag:$0x3], $0x8000, $0x38;
	[tilespmem:$0x9010] =	vst v63  }
0x52: {  	_ = 	snop  }
0x53: {  	[hbm4b:s12+s26] =	stream.linear.scatter [tilespmem:s26], [sflag:$0x3], $0x8000, $0x38;
	[tilespmem:$0x9010] =	vst v63  }
0x54: {  	_ = 	snop  }
0x55: {  	[hbm4b:s13+s26] =	stream.linear.scatter [tilespmem:s26], [sflag:$0x3], $0x8000, $0x38;
	[tilespmem:$0x9010] =	vst v63  }
0x56: {  	_ =	swait.ge [sflag:s20], $0x8000  }
0x57: {  	[sflag:s20] =	ssyncset.done $0x0  }
0x58: {  	[sflag:s20] =	ssyncadd.s32 $0xFFFF8000  }
0x59: {  	_ =	swait.ge [sflag:s20], $0x8000  }
0x5a: {  	[sflag:s20] =	ssyncset.done $0x0  }
0x5b: {  	[sflag:s20] =	ssyncadd.s32 $0xFFFF8000  }
0x5c: {  	p0 =	slt.s32 s28, $0x1;
	_ =	swait.ge [sflag:s20], $0x8000  }
.Ltmp3:
0x5d: {  	[sflag:s20] =	ssyncset.done $0x0;
	(pc) =	sbr.rel @p0 .LBB2_9-.Ltmp3, $4  }
0x5e: {  	[sflag:s20] =	ssyncadd.s32 $0xFFFF8000  }
0x5f: {  	_ =	swait.ge [sflag:s20], $0x8000  }
0x60: {  	[sflag:s20] =	ssyncset.done $0x0  }
0x61: {  	[sflag:s20] =	ssyncadd.s32 $0xFFFF8000  }
0x62: {  	s0 =	sshra.s32 s26, $0x2;
	s26 =	sadd.s32 $0x200, s26  }
.LBB2_5:
0x63: {  	p0 =	sne.s32 s26, $0x1E00;
	[tilespmem:s0+$0x8880] =	vst v0  }
0x64: {  	[tilespmem:s0+$0x8810] =	vst v0  }
0x65: {  	[tilespmem:s0+$0x8820] =	vst v0  }
.Ltmp4:
0x66: {  	[tilespmem:s0+$0x8830] =	vst v0;
	(pc) =	sbr.rel @p0 .LBB2_5-.Ltmp4, $4  }
0x67: {  	[tilespmem:s0+$0x8840] =	vst v0  }
0x68: {  	[tilespmem:s0+$0x8850] =	vst v0  }
0x69: {  	[tilespmem:s0+$0x8860] =	vst v0  }
0x6a: {  	[tilespmem:s0+$0x8870] =	vst v0;
	s0 =	sshra.s32 s26, $0x2;
	s26 =	sadd.s32 $0x200, s26  }
0x6b: {  	[tilespmem:s0+$0x8880] =	vst v0  }
0x6c: {  	[tilespmem:s0+$0x8810] =	vst v0  }
0x6d: {  	[tilespmem:s0+$0x8820] =	vst v0  }
0x6e: {  	[tilespmem:s0+$0x8830] =	vst v0  }
0x6f: {  	[tilespmem:s0+$0x8840] =	vst v0;
	s1 =	sadd.s32 s29, s25  }
0x70: {  	[tilespmem:s0+$0x8850] =	vst v0;
	p0 =	sne.s32 s1, $0x1  }
.Ltmp5:
0x71: {  	[tilespmem:s0+$0x8860] =	vst v0;
	(pc) =	sbr.rel @!p0 .LBB2_8-.Ltmp5, $4  }
0x72: {  	[tilespmem:s0+$0x8870] =	vst v0;
	s0 =	simm.s32 $0x8400  }
0x73: {  	[hbm4b:s2+s21] =	stream.indirect.scatter [tilespmem:s22], [sflag:$0x4], $0x80, s0, s21, $0xb8;
	[tilespmem:$0x9010] =	vst v63  }
0x74: {  	_ =	swait.ge [sflag:s23], $0x800  }
0x75: {  	s25 =	sadd.s32 $0xFFFFFFFF, s1;
	[sflag:s23] =	ssyncset.done $0x0  }
.LBB2_7:
0x76: {  	p0 =	sne.s32 s25, $0x1;
	[sflag:s23] =	ssyncadd.s32 $0xFFFFF800;
	s0 =	sadd.s32 $0x10, s0  }
.Ltmp6:
0x77: {  	s25 =	sadd.s32 $0xFFFFFFFF, s25;
	(pc) =	sbr.rel @p0 .LBB2_7-.Ltmp6, $4  }
0x78: {  	_ = 	snop  }
0x79: {  	[hbm4b:s2+s21] =	stream.indirect.scatter [tilespmem:s22], [sflag:$0x4], $0x80, s0, s21, $0xb8;
	[tilespmem:$0x9010] =	vst v63  }
0x7a: {  	_ =	swait.ge [sflag:s23], $0x800  }
0x7b: {  	[sflag:s23] =	ssyncset.done $0x0  }
.Ltmp7:
0x7c: {  	_ = 	snop;
	(pc) =	sbr.rel .LBB2_8-.Ltmp7, $1  }
0x7d: {  	_ =	sdelay $0x3  }
.LBB2_10:
0x7e: {  	_ =	sfence.sel $0x180000  }
0x7f: {  	[bflag:$0x0] =	sbarrier.arrive $0xFFFF  }
0x80: {  	_ =	strace $0x90000047  }
0x81: {  	s0 =	stileid.u32;
	[bflag:$0x2] =	sbarrier.arrive $0xFFFF  }
0x82: {  	p0 =	sne.s32 s0, $0x0;
	s0 =	rddreg [dreg:$0x3]  }
0x83: {  	s0 =	sadd.s32 @!p0 $0x100000, s0  }
0x84: {  	[sflag:s0] =	ssyncadd.tile.s32 @!p0 $0x1;
	_ =	shalt  }
.Lfunc_end2:
_tile_overlayer_lowered:
.L_overlay_start_2:
0x85: {  	(tag) =	ssettag $0x2  }
0x86: {  	s0 =	rddreg [dreg:$0x0];
	s2 =	stileid.u32  }
0x87: {  	s1 =	rddreg [dreg:$0x1];
	p0 =	sne.s32 s2, $0x0  }
0x88: {  	s3 =	rddreg [dreg:$0x2];
	[bflag:$0x3] =	sbarrier.arrive $0xFFFF;
	s2 =	simm.s32 @!p0 $0x1C05  }
0x89: {  	[timem:s3], [sflag:s2] =	dma.local @!p0 [hbm:s0], s1  }
0x8a: {  	s0 =	simm.s32 @!p0 $0x5  }
0x8b: {  	_ =	swait.ge @!p0 [sflag:s0], s1  }
0x8c: {  	s1 =	ssub.s32 @!p0 $0x0, s1;
	[sflag:s0] =	ssyncset.done @!p0 $0x0  }
0x8d: {  	[sflag:s0] =	ssyncadd.s32 @!p0 s1  }
0x8e: {  	[bflag:$0x3] =	sbarrier.arrive $0xFFFF  }
0x8f: {  	_ =	shalt  }

</sc_bundles>
